<compile_context>
chip_gen: v7x
topology: tpu7x:2x2x1
jax: 0.10.2.dev20260603
libtpu: 0.0.44.dev20260713+nightly
codegen_flags: <defaults>
</compile_context>

<pallas_src>
import jax
import jax.numpy as jnp
from jax import lax
from jax.experimental import pallas as pl
from jax.experimental.pallas import tpu as pltpu
from jax.experimental.pallas import tpu_sc as plsc

N = 100000
F = 200000
NP = 100352
SLAB = NP // 4
NG = 8
IB = 512
NB = 50
FG = NB * IB
FP = NG * FG
NROW = NP // 128


def _sub_body(a_ref, b_ref, o_ref):
    o_ref[...] = a_ref[...] - b_ref[...]


def _sc_body(d4_hbm, fidx_hbm, part_hbm, dc, acc, idxa, idxb, sema, semb):
    cid = lax.axis_index("c")
    sid = lax.axis_index("s")
    gw = cid * 4 + (sid >> 2)
    p = sid & 3

    pltpu.sync_copy(d4_hbm.at[p], dc)

    ibufs = (idxa, idxb)
    sems = (sema, semb)

    @pl.loop(0, 4)
    def _slab(s):
        lo = s * SLAB

        @pl.loop(0, SLAB // 16)
        def _zero(i):
            acc[pl.ds(i * 16, 16)] = jnp.zeros((16,), jnp.float32)

        pltpu.async_copy(fidx_hbm.at[gw, 0], idxa, sema)

        @pl.loop(0, NB)
        def _block(b):
            cur = b % 2
            for t in range(2):
                @pl.when(cur == t)
                def _():
                    pltpu.make_async_copy(
                        fidx_hbm.at[gw, b], ibufs[t], sems[t]).wait()

            @pl.when(b + 1 < NB)
            def _():
                nxt = (b + 1) % 2
                for t in range(2):
                    @pl.when(nxt == t)
                    def _():
                        pltpu.async_copy(
                            fidx_hbm.at[gw, b + 1], ibufs[t], sems[t])

            for t in range(2):
                @pl.when(cur == t)
                def _():
                    ibuf = ibufs[t]

                    @pl.loop(0, IB // 16)
                    def _vec(k):
                        ksl = pl.ds(k * 16, 16)
                        i0 = ibuf[0, ksl]
                        i1 = ibuf[1, ksl]
                        i2 = ibuf[2, ksl]
                        a0 = plsc.load_gather(dc, [i0])
                        a1 = plsc.load_gather(dc, [i1])
                        a2 = plsc.load_gather(dc, [i2])
                        s3 = a0 + a1 + a2
                        j0 = i0 - lo
                        j1 = i1 - lo
                        j2 = i2 - lo
                        m0 = (j0 >= 0) & (j0 < SLAB)
                        m1 = (j1 >= 0) & (j1 < SLAB)
                        m2 = (j2 >= 0) & (j2 < SLAB)
                        plsc.addupdate_scatter(acc, [j0], s3 - a0, mask=m0)
                        plsc.addupdate_scatter(acc, [j1], s3 - a1, mask=m1)
                        plsc.addupdate_scatter(acc, [j2], s3 - a2, mask=m2)

        pltpu.sync_copy(acc, part_hbm.at[gw, p, pl.ds(lo, SLAB)])


def _loss_body(part_ref, d_ref, o_ref):
    a = part_ref[0]
    for g in range(1, NG):
        a = a + part_ref[g]
    deg = jnp.maximum(a[3], 1.0)
    lap = a[0:3] / deg[None] - d_ref[0:3]
    o_ref[0, 0] = jnp.sum(jnp.abs(lap)) * (1.0 / (N * 3.0))


def kernel(vert1, vert2, face):
    f32 = jnp.float32
    v1t = jnp.concatenate(
        [jnp.pad(vert1.T, ((0, 0), (0, NP - N))), jnp.ones((1, NP), f32)])
    v2t = jnp.concatenate(
        [jnp.pad(vert2.T, ((0, 0), (0, NP - N))), jnp.zeros((1, NP), f32)])

    d4f = pl.pallas_call(
        _sub_body,
        out_shape=jax.ShapeDtypeStruct((4, NROW, 128), f32),
    )(v1t.reshape(4, NROW, 128), v2t.reshape(4, NROW, 128))
    d4t = d4f.reshape(4, NP)

    ft = jnp.pad(face.T, ((0, 0), (0, FP - F)), constant_values=N)
    fidx = ft.reshape(3, NG, NB, IB).transpose(1, 2, 0, 3)

    mesh = plsc.VectorSubcoreMesh(core_axis_name="c", subcore_axis_name="s",
                                  num_cores=2, num_subcores=16)
    sc = pl.kernel(
        _sc_body,
        out_type=jax.ShapeDtypeStruct((NG, 4, NP), f32),
        mesh=mesh,
        compiler_params=pltpu.CompilerParams(use_tc_tiling_on_sc=False,
                                             needs_layout_passes=False),
        scratch_types=[
            pltpu.VMEM((NP,), f32),
            pltpu.VMEM((SLAB,), f32),
            pltpu.VMEM((3, IB), jnp.int32),
            pltpu.VMEM((3, IB), jnp.int32),
            pltpu.SemaphoreType.DMA,
            pltpu.SemaphoreType.DMA,
        ],
    )
    part = sc(d4t, fidx)

    out = pl.pallas_call(
        _loss_body,
        out_shape=jax.ShapeDtypeStruct((1, 1), f32),
        out_specs=pl.BlockSpec(memory_space=pltpu.SMEM),
    )(part.reshape(NG, 4, NROW, 128), d4f)
    return out[0, 0]

# --- scband reference (transcript-rebuilt; emitter-appended) ---
"""Pipeline reference for scband-mesh-laplacian-loss-8117488189441 (READ-ONLY COPY).

The authoritative reference and input builder live on the scoring server;
editing this copy changes nothing except your own understanding.
"""

import jax, jax.numpy as jnp
import numpy as np

N_VERTS = 100000
N_FACES = 200000


def uniform_laplacian(vert, face):
    # vert: [N, 3] float, face: [F, 3] int
    # Uniform graph Laplacian: lap_i = (1/deg_i) * sum_{j in N(i)} v_j - v_i
    n = vert.shape[0]
    f0, f1, f2 = face[:, 0], face[:, 1], face[:, 2]
    # each face contributes 6 directed edges (both directions of the 3 face edges)
    src = jnp.concatenate([f0, f1, f1, f2, f2, f0])
    dst = jnp.concatenate([f1, f0, f2, f1, f0, f2])
    neighbor_sum = jnp.zeros((n, vert.shape[1]), dtype=vert.dtype).at[src].add(vert[dst])
    deg = jnp.zeros((n,), dtype=vert.dtype).at[src].add(1.0)
    deg = jnp.maximum(deg, 1.0)
    lap = neighbor_sum / deg[:, None] - vert
    return lap


def setup_inputs(seed: int = 0) -> dict:
    key = jax.random.key(seed)
    k1, k2, k3 = jax.random.split(key, 3)
    vert1 = jax.random.normal(k1, (N_VERTS, 3), dtype=jnp.float32)
    vert2 = jax.random.normal(k2, (N_VERTS, 3), dtype=jnp.float32)
    face = jax.random.randint(k3, (N_FACES, 3), 0, N_VERTS, dtype=jnp.int32)
    return {"vert1": vert1, "vert2": vert2, "face": face}


def reference(vert1, vert2, face):
    # MeshLaplacianLoss with UniformLaplacian, use_norm=False, metric=L1Loss
    lap1 = uniform_laplacian(vert1, face)
    lap2 = uniform_laplacian(vert2, face)
    return jnp.mean(jnp.abs(lap1 - lap2))

if __name__ == "__main__":
    import jax
    _d = setup_inputs()
    print(jax.jit(kernel)(*tuple(_d.values())))

</pallas_src>

<mosaic_0001>
#map = affine_map<(d0, d1) -> (0, 0)>
#map1 = affine_map<(d0, d1) -> (0, 0, 0, 0)>
#map2 = affine_map<(d0, d1) -> (0, 0, 0)>
module attributes {stable_mosaic.version = 14 : i64} {
  func.func @_sc_body(%arg0: i32, %arg1: i32, %arg2: memref<4x100352xf32, #tpu.memory_space<hbm>>, %arg3: memref<8x50x3x512xi32, #tpu.memory_space<hbm>>, %arg4: memref<8x4x100352xf32, #tpu.memory_space<hbm>>, %arg5: memref<100352xf32, #tpu.memory_space<vmem>>, %arg6: memref<25088xf32, #tpu.memory_space<vmem>>, %arg7: memref<3x512xi32, #tpu.memory_space<vmem>>, %arg8: memref<3x512xi32, #tpu.memory_space<vmem>>, %arg9: memref<!tpu.dma_semaphore, #tpu.memory_space<semaphore_mem>>, %arg10: memref<!tpu.dma_semaphore, #tpu.memory_space<semaphore_mem>>) attributes {dimension_semantics = [#tpu.dimension_semantics<core_parallel>, #tpu.dimension_semantics<subcore_parallel>], iteration_bounds = array<i64: 2, 16>, scalar_prefetch = 0 : i64, scratch_operands = 6 : i64, tpu.core_type = #tpu.core_type<sc_vector_subcore>, window_params = [{transform_indices = #map}, {transform_indices = #map1}, {transform_indices = #map2}]} {
    %mul3A = arith.constant 4 : i32
    %mul3A_0 = arith.muli %arg0, %mul3A : i32
    %shift_right_arithmetic3A = arith.constant 2 : i32
    %shift_right_arithmetic3A_1 = arith.shrsi %arg1, %shift_right_arithmetic3A : i32
    %add3A = arith.addi %mul3A_0, %shift_right_arithmetic3A_1 : i32
    %and3A = arith.constant 3 : i32
    %and3A_2 = arith.andi %arg1, %and3A : i32
    "tpu.region"() ({
      %run_scoped3A = tpu.sem_alloc : memref<!tpu.dma_semaphore, #tpu.memory_space<semaphore_mem>>
      %dma_start3A = arith.constant 0 : i32
      %dma_start3A_7 = tpu.memref_slice %arg2[%and3A_2, %dma_start3A] : memref<4x100352xf32, #tpu.memory_space<hbm>> -> memref<1x100352xf32, #tpu.memory_space<hbm>>
      %dma_start3A_8 = tpu.memref_squeeze %dma_start3A_7 : memref<1x100352xf32, #tpu.memory_space<hbm>> -> memref<100352xf32, #tpu.memory_space<hbm>>
      %dma_start3A_9 = arith.constant 0 : i32
      %dma_start3A_10 = tpu.memref_slice %arg2[%and3A_2, %dma_start3A_9] : memref<4x100352xf32, #tpu.memory_space<hbm>> -> memref<1x100352xf32, #tpu.memory_space<hbm>>
      %dma_start3A_11 = tpu.memref_squeeze %dma_start3A_10 : memref<1x100352xf32, #tpu.memory_space<hbm>> -> memref<100352xf32, #tpu.memory_space<hbm>>
      tpu.enqueue_dma source(%dma_start3A_11 : memref<100352xf32, #tpu.memory_space<hbm>>) target(%arg5 : memref<100352xf32, #tpu.memory_space<vmem>>) target_semaphore(%run_scoped3A : memref<!tpu.dma_semaphore, #tpu.memory_space<semaphore_mem>>)
      %dma_wait3A = arith.constant 0 : i32
      %dma_wait3A_12 = tpu.memref_slice %arg2[%and3A_2, %dma_wait3A] : memref<4x100352xf32, #tpu.memory_space<hbm>> -> memref<1x100352xf32, #tpu.memory_space<hbm>>
      %dma_wait3A_13 = tpu.memref_squeeze %dma_wait3A_12 : memref<1x100352xf32, #tpu.memory_space<hbm>> -> memref<100352xf32, #tpu.memory_space<hbm>>
      %dma_wait3A_14 = arith.constant 0 : i32
      %dma_wait3A_15 = tpu.memref_slice %arg2[%and3A_2, %dma_wait3A_14] : memref<4x100352xf32, #tpu.memory_space<hbm>> -> memref<1x100352xf32, #tpu.memory_space<hbm>>
      %dma_wait3A_16 = tpu.memref_squeeze %dma_wait3A_15 : memref<1x100352xf32, #tpu.memory_space<hbm>> -> memref<100352xf32, #tpu.memory_space<hbm>>
      tpu.wait_dma2 semaphore(%run_scoped3A : memref<!tpu.dma_semaphore, #tpu.memory_space<semaphore_mem>>) src(%dma_wait3A_16 : memref<100352xf32, #tpu.memory_space<hbm>>) dst(%arg5 : memref<100352xf32, #tpu.memory_space<vmem>>)
      tpu.yield
    }) : () -> ()
    %scan3A = arith.constant 0 : i32
    %scan3A_3 = arith.constant 4 : i32
    %scan3A_4 = arith.addi %scan3A, %scan3A_3 : i32
    %scan3A_5 = arith.constant 1 : i32
    scf.for %scan3A_7 = %scan3A to %scan3A_4 step %scan3A_5  : i32 {
      %mul3A_8 = arith.constant 1 : i32
      %mul3A_9 = arith.muli %scan3A_7, %mul3A_8 : i32
      %add3A_10 = arith.constant 0 : i32
      %add3A_11 = arith.addi %add3A_10, %mul3A_9 : i32
      %mul3A_12 = arith.constant 25088 : i32
      %mul3A_13 = arith.muli %add3A_11, %mul3A_12 : i32
      %scan3A_14 = arith.constant 0 : i32
      %scan3A_15 = arith.constant 1568 : i32
      %scan3A_16 = arith.addi %scan3A_14, %scan3A_15 : i32
      %scan3A_17 = arith.constant 1 : i32
      scf.for %scan3A_32 = %scan3A_14 to %scan3A_16 step %scan3A_17  : i32 {
        %mul3A_33 = arith.constant 1 : i32
        %mul3A_34 = arith.muli %scan3A_32, %mul3A_33 : i32
        %add3A_35 = arith.constant 0 : i32
        %add3A_36 = arith.addi %add3A_35, %mul3A_34 : i32
        %broadcast_in_dim3A = arith.constant 0.000000e+00 : f32
        %broadcast_in_dim3A_37 = vector.broadcast %broadcast_in_dim3A : f32 to vector<16xf32>
        %mul3A_38 = arith.constant 16 : i32
        %mul3A_39 = arith.muli %add3A_36, %mul3A_38 : i32
        %swap3A = arith.index_cast %mul3A_39 : i32 to index
        %swap3A_40 = tpu.vector_load %arg6[%swap3A] {strides = array<i32>} : memref<25088xf32, #tpu.memory_space<vmem>>, vector<16xf32>,
        tpu.vector_store %arg6[%swap3A], %broadcast_in_dim3A_37 {strides = array<i32>} : memref<25088xf32, #tpu.memory_space<vmem>>, vector<16xf32>,
      }
      %scan3A_18 = arith.constant 1568 : i32
      %dma_start3A = arith.constant 0 : i32
      %dma_start3A_19 = arith.constant 0 : i32
      %dma_start3A_20 = arith.constant 0 : i32
      %dma_start3A_21 = tpu.memref_slice %arg3[%add3A, %dma_start3A, %dma_start3A_19, %dma_start3A_20] : memref<8x50x3x512xi32, #tpu.memory_space<hbm>> -> memref<1x1x3x512xi32, #tpu.memory_space<hbm>>
      %dma_start3A_22 = tpu.memref_squeeze %dma_start3A_21 : memref<1x1x3x512xi32, #tpu.memory_space<hbm>> -> memref<3x512xi32, #tpu.memory_space<hbm>>
      %dma_start3A_23 = arith.constant 0 : i32
      %dma_start3A_24 = arith.constant 0 : i32
      %dma_start3A_25 = tpu.memref_slice %arg3[%add3A, %dma_start3A, %dma_start3A_23, %dma_start3A_24] : memref<8x50x3x512xi32, #tpu.memory_space<hbm>> -> memref<1x1x3x512xi32, #tpu.memory_space<hbm>>
      %dma_start3A_26 = tpu.memref_squeeze %dma_start3A_25 : memref<1x1x3x512xi32, #tpu.memory_space<hbm>> -> memref<3x512xi32, #tpu.memory_space<hbm>>
      tpu.enqueue_dma source(%dma_start3A_26 : memref<3x512xi32, #tpu.memory_space<hbm>>) target(%arg7 : memref<3x512xi32, #tpu.memory_space<vmem>>) target_semaphore(%arg9 : memref<!tpu.dma_semaphore, #tpu.memory_space<semaphore_mem>>)
      %scan3A_27 = arith.constant 0 : i32
      %scan3A_28 = arith.constant 50 : i32
      %scan3A_29 = arith.addi %scan3A_27, %scan3A_28 : i32
      %scan3A_30 = arith.constant 1 : i32
      scf.for %scan3A_32 = %scan3A_27 to %scan3A_29 step %scan3A_30  : i32 {
        %mul3A_33 = arith.constant 1 : i32
        %mul3A_34 = arith.muli %scan3A_32, %mul3A_33 : i32
        %add3A_35 = arith.constant 0 : i32
        %add3A_36 = arith.addi %add3A_35, %mul3A_34 : i32
        %jit3A = arith.constant 2 : i32
        %eq3A = arith.constant 0 : i32
        %eq3A_37 = arith.cmpi eq, %jit3A, %eq3A : i32
        %jit3A_38 = arith.constant 1 : i32
        %select_n3A = arith.select %eq3A_37, %jit3A_38, %jit3A : i32
        %rem3A = arith.remsi %add3A_36, %select_n3A : i32
        %ne3A = arith.constant 0 : i32
        %ne3A_39 = arith.cmpi ne, %rem3A, %ne3A : i32
        %lt3A = arith.constant 0 : i32
        %lt3A_40 = arith.cmpi slt, %rem3A, %lt3A : i32
        %lt3A_41 = arith.constant 0 : i32
        %lt3A_42 = arith.cmpi slt, %select_n3A, %lt3A_41 : i32
        %ne3A_43 = arith.xori %lt3A_40, %lt3A_42 : i1
        %and3A_44 = arith.andi %ne3A_43, %ne3A_39 : i1
        %add3A_45 = arith.addi %rem3A, %select_n3A : i32
        %select_n3A_46 = arith.select %and3A_44, %add3A_45, %rem3A : i32
        %eq3A_47 = arith.constant 0 : i32
        %eq3A_48 = arith.cmpi eq, %select_n3A_46, %eq3A_47 : i32
        %convert_element_type3A = arith.extui %eq3A_48 : i1 to i32
        %cond3A = arith.constant 0 : i32
        %cond3A_49 = arith.cmpi ne, %convert_element_type3A, %cond3A : i32
        scf.if %cond3A_49 {
          %dma_wait3A = arith.constant 0 : i32
          %dma_wait3A_72 = arith.constant 0 : i32
          %dma_wait3A_73 = tpu.memref_slice %arg3[%add3A, %add3A_36, %dma_wait3A, %dma_wait3A_72] : memref<8x50x3x512xi32, #tpu.memory_space<hbm>> -> memref<1x1x3x512xi32, #tpu.memory_space<hbm>>
          %dma_wait3A_74 = tpu.memref_squeeze %dma_wait3A_73 : memref<1x1x3x512xi32, #tpu.memory_space<hbm>> -> memref<3x512xi32, #tpu.memory_space<hbm>>
          %dma_wait3A_75 = arith.constant 0 : i32
          %dma_wait3A_76 = arith.constant 0 : i32
          %dma_wait3A_77 = tpu.memref_slice %arg3[%add3A, %add3A_36, %dma_wait3A_75, %dma_wait3A_76] : memref<8x50x3x512xi32, #tpu.memory_space<hbm>> -> memref<1x1x3x512xi32, #tpu.memory_space<hbm>>
          %dma_wait3A_78 = tpu.memref_squeeze %dma_wait3A_77 : memref<1x1x3x512xi32, #tpu.memory_space<hbm>> -> memref<3x512xi32, #tpu.memory_space<hbm>>
          tpu.wait_dma2 semaphore(%arg9 : memref<!tpu.dma_semaphore, #tpu.memory_space<semaphore_mem>>) src(%dma_wait3A_78 : memref<3x512xi32, #tpu.memory_space<hbm>>) dst(%arg7 : memref<3x512xi32, #tpu.memory_space<vmem>>)
        } else {
        }
        %eq3A_50 = arith.constant 1 : i32
        %eq3A_51 = arith.cmpi eq, %select_n3A_46, %eq3A_50 : i32
        %convert_element_type3A_52 = arith.extui %eq3A_51 : i1 to i32
        %cond3A_53 = arith.constant 0 : i32
        %cond3A_54 = arith.cmpi ne, %convert_element_type3A_52, %cond3A_53 : i32
        scf.if %cond3A_54 {
          %dma_wait3A = arith.constant 0 : i32
          %dma_wait3A_72 = arith.constant 0 : i32
          %dma_wait3A_73 = tpu.memref_slice %arg3[%add3A, %add3A_36, %dma_wait3A, %dma_wait3A_72] : memref<8x50x3x512xi32, #tpu.memory_space<hbm>> -> memref<1x1x3x512xi32, #tpu.memory_space<hbm>>
          %dma_wait3A_74 = tpu.memref_squeeze %dma_wait3A_73 : memref<1x1x3x512xi32, #tpu.memory_space<hbm>> -> memref<3x512xi32, #tpu.memory_space<hbm>>
          %dma_wait3A_75 = arith.constant 0 : i32
          %dma_wait3A_76 = arith.constant 0 : i32
          %dma_wait3A_77 = tpu.memref_slice %arg3[%add3A, %add3A_36, %dma_wait3A_75, %dma_wait3A_76] : memref<8x50x3x512xi32, #tpu.memory_space<hbm>> -> memref<1x1x3x512xi32, #tpu.memory_space<hbm>>
          %dma_wait3A_78 = tpu.memref_squeeze %dma_wait3A_77 : memref<1x1x3x512xi32, #tpu.memory_space<hbm>> -> memref<3x512xi32, #tpu.memory_space<hbm>>
          tpu.wait_dma2 semaphore(%arg10 : memref<!tpu.dma_semaphore, #tpu.memory_space<semaphore_mem>>) src(%dma_wait3A_78 : memref<3x512xi32, #tpu.memory_space<hbm>>) dst(%arg8 : memref<3x512xi32, #tpu.memory_space<vmem>>)
        } else {
        }
        %add3A_55 = arith.constant 1 : i32
        %add3A_56 = arith.addi %add3A_36, %add3A_55 : i32
        %lt3A_57 = arith.constant 50 : i32
        %lt3A_58 = arith.cmpi slt, %add3A_56, %lt3A_57 : i32
        %convert_element_type3A_59 = arith.extui %lt3A_58 : i1 to i32
        %cond3A_60 = arith.constant 0 : i32
        %cond3A_61 = arith.cmpi ne, %convert_element_type3A_59, %cond3A_60 : i32
        scf.if %cond3A_61 {
          %add3A_72 = arith.constant 1 : i32
          %add3A_73 = arith.addi %add3A_36, %add3A_72 : i32
          %jit3A_74 = arith.constant 2 : i32
          %eq3A_75 = arith.constant 0 : i32
          %eq3A_76 = arith.cmpi eq, %jit3A_74, %eq3A_75 : i32
          %jit3A_77 = arith.constant 1 : i32
          %select_n3A_78 = arith.select %eq3A_76, %jit3A_77, %jit3A_74 : i32
          %rem3A_79 = arith.remsi %add3A_73, %select_n3A_78 : i32
          %ne3A_80 = arith.constant 0 : i32
          %ne3A_81 = arith.cmpi ne, %rem3A_79, %ne3A_80 : i32
          %lt3A_82 = arith.constant 0 : i32
          %lt3A_83 = arith.cmpi slt, %rem3A_79, %lt3A_82 : i32
          %lt3A_84 = arith.constant 0 : i32
          %lt3A_85 = arith.cmpi slt, %select_n3A_78, %lt3A_84 : i32
          %ne3A_86 = arith.xori %lt3A_83, %lt3A_85 : i1
          %and3A_87 = arith.andi %ne3A_86, %ne3A_81 : i1
          %add3A_88 = arith.addi %rem3A_79, %select_n3A_78 : i32
          %select_n3A_89 = arith.select %and3A_87, %add3A_88, %rem3A_79 : i32
          %eq3A_90 = arith.constant 0 : i32
          %eq3A_91 = arith.cmpi eq, %select_n3A_89, %eq3A_90 : i32
          %convert_element_type3A_92 = arith.extui %eq3A_91 : i1 to i32
          %cond3A_93 = arith.constant 0 : i32
          %cond3A_94 = arith.cmpi ne, %convert_element_type3A_92, %cond3A_93 : i32
          scf.if %cond3A_94 {
            %add3A_100 = arith.constant 1 : i32
            %add3A_101 = arith.addi %add3A_36, %add3A_100 : i32
            %dma_start3A_102 = arith.constant 0 : i32
            %dma_start3A_103 = arith.constant 0 : i32
            %dma_start3A_104 = tpu.memref_slice %arg3[%add3A, %add3A_101, %dma_start3A_102, %dma_start3A_103] : memref<8x50x3x512xi32, #tpu.memory_space<hbm>> -> memref<1x1x3x512xi32, #tpu.memory_space<hbm>>
            %dma_start3A_105 = tpu.memref_squeeze %dma_start3A_104 : memref<1x1x3x512xi32, #tpu.memory_space<hbm>> -> memref<3x512xi32, #tpu.memory_space<hbm>>
            %dma_start3A_106 = arith.constant 0 : i32
            %dma_start3A_107 = arith.constant 0 : i32
            %dma_start3A_108 = tpu.memref_slice %arg3[%add3A, %add3A_101, %dma_start3A_106, %dma_start3A_107] : memref<8x50x3x512xi32, #tpu.memory_space<hbm>> -> memref<1x1x3x512xi32, #tpu.memory_space<hbm>>
            %dma_start3A_109 = tpu.memref_squeeze %dma_start3A_108 : memref<1x1x3x512xi32, #tpu.memory_space<hbm>> -> memref<3x512xi32, #tpu.memory_space<hbm>>
            tpu.enqueue_dma source(%dma_start3A_109 : memref<3x512xi32, #tpu.memory_space<hbm>>) target(%arg7 : memref<3x512xi32, #tpu.memory_space<vmem>>) target_semaphore(%arg9 : memref<!tpu.dma_semaphore, #tpu.memory_space<semaphore_mem>>)
          } else {
          }
          %eq3A_95 = arith.constant 1 : i32
          %eq3A_96 = arith.cmpi eq, %select_n3A_89, %eq3A_95 : i32
          %convert_element_type3A_97 = arith.extui %eq3A_96 : i1 to i32
          %cond3A_98 = arith.constant 0 : i32
          %cond3A_99 = arith.cmpi ne, %convert_element_type3A_97, %cond3A_98 : i32
          scf.if %cond3A_99 {
            %add3A_100 = arith.constant 1 : i32
            %add3A_101 = arith.addi %add3A_36, %add3A_100 : i32
            %dma_start3A_102 = arith.constant 0 : i32
            %dma_start3A_103 = arith.constant 0 : i32
            %dma_start3A_104 = tpu.memref_slice %arg3[%add3A, %add3A_101, %dma_start3A_102, %dma_start3A_103] : memref<8x50x3x512xi32, #tpu.memory_space<hbm>> -> memref<1x1x3x512xi32, #tpu.memory_space<hbm>>
            %dma_start3A_105 = tpu.memref_squeeze %dma_start3A_104 : memref<1x1x3x512xi32, #tpu.memory_space<hbm>> -> memref<3x512xi32, #tpu.memory_space<hbm>>
            %dma_start3A_106 = arith.constant 0 : i32
            %dma_start3A_107 = arith.constant 0 : i32
            %dma_start3A_108 = tpu.memref_slice %arg3[%add3A, %add3A_101, %dma_start3A_106, %dma_start3A_107] : memref<8x50x3x512xi32, #tpu.memory_space<hbm>> -> memref<1x1x3x512xi32, #tpu.memory_space<hbm>>
            %dma_start3A_109 = tpu.memref_squeeze %dma_start3A_108 : memref<1x1x3x512xi32, #tpu.memory_space<hbm>> -> memref<3x512xi32, #tpu.memory_space<hbm>>
            tpu.enqueue_dma source(%dma_start3A_109 : memref<3x512xi32, #tpu.memory_space<hbm>>) target(%arg8 : memref<3x512xi32, #tpu.memory_space<vmem>>) target_semaphore(%arg10 : memref<!tpu.dma_semaphore, #tpu.memory_space<semaphore_mem>>)
          } else {
          }
        } else {
        }
        %eq3A_62 = arith.constant 0 : i32
        %eq3A_63 = arith.cmpi eq, %select_n3A_46, %eq3A_62 : i32
        %convert_element_type3A_64 = arith.extui %eq3A_63 : i1 to i32
        %cond3A_65 = arith.constant 0 : i32
        %cond3A_66 = arith.cmpi ne, %convert_element_type3A_64, %cond3A_65 : i32
        scf.if %cond3A_66 {
          %scan3A_72 = arith.constant 0 : i32
          %scan3A_73 = arith.constant 32 : i32
          %scan3A_74 = arith.addi %scan3A_72, %scan3A_73 : i32
          %scan3A_75 = arith.constant 1 : i32
          scf.for %scan3A_77 = %scan3A_72 to %scan3A_74 step %scan3A_75  : i32 {
            %mul3A_78 = arith.constant 1 : i32
            %mul3A_79 = arith.muli %scan3A_77, %mul3A_78 : i32
            %add3A_80 = arith.constant 0 : i32
            %add3A_81 = arith.addi %add3A_80, %mul3A_79 : i32
            %mul3A_82 = arith.constant 16 : i32
            %mul3A_83 = arith.muli %add3A_81, %mul3A_82 : i32
            %get3A = arith.constant 0 : i32
            %get3A_84 = arith.index_cast %get3A : i32 to index
            %get3A_85 = arith.index_cast %mul3A_83 : i32 to index
            %get3A_86 = tpu.vector_load %arg7[%get3A_84, %get3A_85] {strides = array<i32>} : memref<3x512xi32, #tpu.memory_space<vmem>>, vector<16xi32>,
            %get3A_87 = arith.constant 1 : i32
            %get3A_88 = arith.index_cast %get3A_87 : i32 to index
            %get3A_89 = arith.index_cast %mul3A_83 : i32 to index
            %get3A_90 = tpu.vector_load %arg7[%get3A_88, %get3A_89] {strides = array<i32>} : memref<3x512xi32, #tpu.memory_space<vmem>>, vector<16xi32>,
            %get3A_91 = arith.constant 2 : i32
            %get3A_92 = arith.index_cast %get3A_91 : i32 to index
            %get3A_93 = arith.index_cast %mul3A_83 : i32 to index
            %get3A_94 = tpu.vector_load %arg7[%get3A_92, %get3A_93] {strides = array<i32>} : memref<3x512xi32, #tpu.memory_space<vmem>>, vector<16xi32>,
            %gather3A = tpu.vector_load_idx %arg5[%get3A_86] : memref<100352xf32, #tpu.memory_space<vmem>>[vector<16xi32>], vector<16xf32>,
            %gather3A_95 = tpu.vector_load_idx %arg5[%get3A_90] : memref<100352xf32, #tpu.memory_space<vmem>>[vector<16xi32>], vector<16xf32>,
            %gather3A_96 = tpu.vector_load_idx %arg5[%get3A_94] : memref<100352xf32, #tpu.memory_space<vmem>>[vector<16xi32>], vector<16xf32>,
            %add3A_97 = arith.addf %gather3A, %gather3A_95 : vector<16xf32>
            %add3A_98 = arith.addf %add3A_97, %gather3A_96 : vector<16xf32>
            %sub3A = vector.broadcast %mul3A_13 : i32 to vector<16xi32>
            %sub3A_99 = arith.subi %get3A_86, %sub3A : vector<16xi32>
            %sub3A_100 = vector.broadcast %mul3A_13 : i32 to vector<16xi32>
            %sub3A_101 = arith.subi %get3A_90, %sub3A_100 : vector<16xi32>
            %sub3A_102 = vector.broadcast %mul3A_13 : i32 to vector<16xi32>
            %sub3A_103 = arith.subi %get3A_94, %sub3A_102 : vector<16xi32>
            %ge3A = arith.constant 0 : i32
            %ge3A_104 = vector.broadcast %ge3A : i32 to vector<16xi32>
            %ge3A_105 = arith.cmpi sge, %sub3A_99, %ge3A_104 : vector<16xi32>
            %lt3A_106 = arith.constant 25088 : i32
            %lt3A_107 = vector.broadcast %lt3A_106 : i32 to vector<16xi32>
            %lt3A_108 = arith.cmpi slt, %sub3A_99, %lt3A_107 : vector<16xi32>
            %and3A_109 = arith.andi %ge3A_105, %lt3A_108 : vector<16xi1>
            %ge3A_110 = arith.constant 0 : i32
            %ge3A_111 = vector.broadcast %ge3A_110 : i32 to vector<16xi32>
            %ge3A_112 = arith.cmpi sge, %sub3A_101, %ge3A_111 : vector<16xi32>
            %lt3A_113 = arith.constant 25088 : i32
            %lt3A_114 = vector.broadcast %lt3A_113 : i32 to vector<16xi32>
            %lt3A_115 = arith.cmpi slt, %sub3A_101, %lt3A_114 : vector<16xi32>
            %and3A_116 = arith.andi %ge3A_112, %lt3A_115 : vector<16xi1>
            %ge3A_117 = arith.constant 0 : i32
            %ge3A_118 = vector.broadcast %ge3A_117 : i32 to vector<16xi32>
            %ge3A_119 = arith.cmpi sge, %sub3A_103, %ge3A_118 : vector<16xi32>
            %lt3A_120 = arith.constant 25088 : i32
            %lt3A_121 = vector.broadcast %lt3A_120 : i32 to vector<16xi32>
            %lt3A_122 = arith.cmpi slt, %sub3A_103, %lt3A_121 : vector<16xi32>
            %and3A_123 = arith.andi %ge3A_119, %lt3A_122 : vector<16xi1>
            %sub3A_124 = arith.subf %add3A_98, %gather3A : vector<16xf32>
            tpu.vector_store_idx %arg6[%sub3A_99], %sub3A_124 masked %and3A_109 {add = true} : memref<25088xf32, #tpu.memory_space<vmem>>[vector<16xi32>], vector<16xf32>, vector<16xi1>
            %sub3A_125 = arith.subf %add3A_98, %gather3A_95 : vector<16xf32>
            tpu.vector_store_idx %arg6[%sub3A_101], %sub3A_125 masked %and3A_116 {add = true} : memref<25088xf32, #tpu.memory_space<vmem>>[vector<16xi32>], vector<16xf32>, vector<16xi1>
            %sub3A_126 = arith.subf %add3A_98, %gather3A_96 : vector<16xf32>
            tpu.vector_store_idx %arg6[%sub3A_103], %sub3A_126 masked %and3A_123 {add = true} : memref<25088xf32, #tpu.memory_space<vmem>>[vector<16xi32>], vector<16xf32>, vector<16xi1>
          }
          %scan3A_76 = arith.constant 32 : i32
        } else {
        }
        %eq3A_67 = arith.constant 1 : i32
        %eq3A_68 = arith.cmpi eq, %select_n3A_46, %eq3A_67 : i32
        %convert_element_type3A_69 = arith.extui %eq3A_68 : i1 to i32
        %cond3A_70 = arith.constant 0 : i32
        %cond3A_71 = arith.cmpi ne, %convert_element_type3A_69, %cond3A_70 : i32
        scf.if %cond3A_71 {
          %scan3A_72 = arith.constant 0 : i32
          %scan3A_73 = arith.constant 32 : i32
          %scan3A_74 = arith.addi %scan3A_72, %scan3A_73 : i32
          %scan3A_75 = arith.constant 1 : i32
          scf.for %scan3A_77 = %scan3A_72 to %scan3A_74 step %scan3A_75  : i32 {
            %mul3A_78 = arith.constant 1 : i32
            %mul3A_79 = arith.muli %scan3A_77, %mul3A_78 : i32
            %add3A_80 = arith.constant 0 : i32
            %add3A_81 = arith.addi %add3A_80, %mul3A_79 : i32
            %mul3A_82 = arith.constant 16 : i32
            %mul3A_83 = arith.muli %add3A_81, %mul3A_82 : i32
            %get3A = arith.constant 0 : i32
            %get3A_84 = arith.index_cast %get3A : i32 to index
            %get3A_85 = arith.index_cast %mul3A_83 : i32 to index
            %get3A_86 = tpu.vector_load %arg8[%get3A_84, %get3A_85] {strides = array<i32>} : memref<3x512xi32, #tpu.memory_space<vmem>>, vector<16xi32>,
            %get3A_87 = arith.constant 1 : i32
            %get3A_88 = arith.index_cast %get3A_87 : i32 to index
            %get3A_89 = arith.index_cast %mul3A_83 : i32 to index
            %get3A_90 = tpu.vector_load %arg8[%get3A_88, %get3A_89] {strides = array<i32>} : memref<3x512xi32, #tpu.memory_space<vmem>>, vector<16xi32>,
            %get3A_91 = arith.constant 2 : i32
            %get3A_92 = arith.index_cast %get3A_91 : i32 to index
            %get3A_93 = arith.index_cast %mul3A_83 : i32 to index
            %get3A_94 = tpu.vector_load %arg8[%get3A_92, %get3A_93] {strides = array<i32>} : memref<3x512xi32, #tpu.memory_space<vmem>>, vector<16xi32>,
            %gather3A = tpu.vector_load_idx %arg5[%get3A_86] : memref<100352xf32, #tpu.memory_space<vmem>>[vector<16xi32>], vector<16xf32>,
            %gather3A_95 = tpu.vector_load_idx %arg5[%get3A_90] : memref<100352xf32, #tpu.memory_space<vmem>>[vector<16xi32>], vector<16xf32>,
            %gather3A_96 = tpu.vector_load_idx %arg5[%get3A_94] : memref<100352xf32, #tpu.memory_space<vmem>>[vector<16xi32>], vector<16xf32>,
            %add3A_97 = arith.addf %gather3A, %gather3A_95 : vector<16xf32>
            %add3A_98 = arith.addf %add3A_97, %gather3A_96 : vector<16xf32>
            %sub3A = vector.broadcast %mul3A_13 : i32 to vector<16xi32>
            %sub3A_99 = arith.subi %get3A_86, %sub3A : vector<16xi32>
            %sub3A_100 = vector.broadcast %mul3A_13 : i32 to vector<16xi32>
            %sub3A_101 = arith.subi %get3A_90, %sub3A_100 : vector<16xi32>
            %sub3A_102 = vector.broadcast %mul3A_13 : i32 to vector<16xi32>
            %sub3A_103 = arith.subi %get3A_94, %sub3A_102 : vector<16xi32>
            %ge3A = arith.constant 0 : i32
            %ge3A_104 = vector.broadcast %ge3A : i32 to vector<16xi32>
            %ge3A_105 = arith.cmpi sge, %sub3A_99, %ge3A_104 : vector<16xi32>
            %lt3A_106 = arith.constant 25088 : i32
            %lt3A_107 = vector.broadcast %lt3A_106 : i32 to vector<16xi32>
            %lt3A_108 = arith.cmpi slt, %sub3A_99, %lt3A_107 : vector<16xi32>
            %and3A_109 = arith.andi %ge3A_105, %lt3A_108 : vector<16xi1>
            %ge3A_110 = arith.constant 0 : i32
            %ge3A_111 = vector.broadcast %ge3A_110 : i32 to vector<16xi32>
            %ge3A_112 = arith.cmpi sge, %sub3A_101, %ge3A_111 : vector<16xi32>
            %lt3A_113 = arith.constant 25088 : i32
            %lt3A_114 = vector.broadcast %lt3A_113 : i32 to vector<16xi32>
            %lt3A_115 = arith.cmpi slt, %sub3A_101, %lt3A_114 : vector<16xi32>
            %and3A_116 = arith.andi %ge3A_112, %lt3A_115 : vector<16xi1>
            %ge3A_117 = arith.constant 0 : i32
            %ge3A_118 = vector.broadcast %ge3A_117 : i32 to vector<16xi32>
            %ge3A_119 = arith.cmpi sge, %sub3A_103, %ge3A_118 : vector<16xi32>
            %lt3A_120 = arith.constant 25088 : i32
            %lt3A_121 = vector.broadcast %lt3A_120 : i32 to vector<16xi32>
            %lt3A_122 = arith.cmpi slt, %sub3A_103, %lt3A_121 : vector<16xi32>
            %and3A_123 = arith.andi %ge3A_119, %lt3A_122 : vector<16xi1>
            %sub3A_124 = arith.subf %add3A_98, %gather3A : vector<16xf32>
            tpu.vector_store_idx %arg6[%sub3A_99], %sub3A_124 masked %and3A_109 {add = true} : memref<25088xf32, #tpu.memory_space<vmem>>[vector<16xi32>], vector<16xf32>, vector<16xi1>
            %sub3A_125 = arith.subf %add3A_98, %gather3A_95 : vector<16xf32>
            tpu.vector_store_idx %arg6[%sub3A_101], %sub3A_125 masked %and3A_116 {add = true} : memref<25088xf32, #tpu.memory_space<vmem>>[vector<16xi32>], vector<16xf32>, vector<16xi1>
            %sub3A_126 = arith.subf %add3A_98, %gather3A_96 : vector<16xf32>
            tpu.vector_store_idx %arg6[%sub3A_103], %sub3A_126 masked %and3A_123 {add = true} : memref<25088xf32, #tpu.memory_space<vmem>>[vector<16xi32>], vector<16xf32>, vector<16xi1>
          }
          %scan3A_76 = arith.constant 32 : i32
        } else {
        }
      }
      %scan3A_31 = arith.constant 50 : i32
      "tpu.region"() ({
        %run_scoped3A = tpu.sem_alloc : memref<!tpu.dma_semaphore, #tpu.memory_space<semaphore_mem>>
        %dma_start3A_32 = tpu.memref_slice %arg4[%add3A, %and3A_2, %mul3A_13] : memref<8x4x100352xf32, #tpu.memory_space<hbm>> -> memref<1x1x25088xf32, #tpu.memory_space<hbm>>
        %dma_start3A_33 = tpu.memref_squeeze %dma_start3A_32 : memref<1x1x25088xf32, #tpu.memory_space<hbm>> -> memref<25088xf32, #tpu.memory_space<hbm>>
        %dma_start3A_34 = tpu.memref_slice %arg4[%add3A, %and3A_2, %mul3A_13] : memref<8x4x100352xf32, #tpu.memory_space<hbm>> -> memref<1x1x25088xf32, #tpu.memory_space<hbm>>
        %dma_start3A_35 = tpu.memref_squeeze %dma_start3A_34 : memref<1x1x25088xf32, #tpu.memory_space<hbm>> -> memref<25088xf32, #tpu.memory_space<hbm>>
        tpu.enqueue_dma source(%arg6 : memref<25088xf32, #tpu.memory_space<vmem>>) target(%dma_start3A_35 : memref<25088xf32, #tpu.memory_space<hbm>>) target_semaphore(%run_scoped3A : memref<!tpu.dma_semaphore, #tpu.memory_space<semaphore_mem>>)
        %dma_wait3A = tpu.memref_slice %arg4[%add3A, %and3A_2, %mul3A_13] : memref<8x4x100352xf32, #tpu.memory_space<hbm>> -> memref<1x1x25088xf32, #tpu.memory_space<hbm>>
        %dma_wait3A_36 = tpu.memref_squeeze %dma_wait3A : memref<1x1x25088xf32, #tpu.memory_space<hbm>> -> memref<25088xf32, #tpu.memory_space<hbm>>
        %dma_wait3A_37 = tpu.memref_slice %arg4[%add3A, %and3A_2, %mul3A_13] : memref<8x4x100352xf32, #tpu.memory_space<hbm>> -> memref<1x1x25088xf32, #tpu.memory_space<hbm>>
        %dma_wait3A_38 = tpu.memref_squeeze %dma_wait3A_37 : memref<1x1x25088xf32, #tpu.memory_space<hbm>> -> memref<25088xf32, #tpu.memory_space<hbm>>
        tpu.wait_dma2 semaphore(%run_scoped3A : memref<!tpu.dma_semaphore, #tpu.memory_space<semaphore_mem>>) src(%arg6 : memref<25088xf32, #tpu.memory_space<vmem>>) dst(%dma_wait3A_38 : memref<25088xf32, #tpu.memory_space<hbm>>)
        tpu.yield
      }) : () -> ()
    }
    %scan3A_6 = arith.constant 4 : i32
    return
  }
}

module attributes {stable_mosaic.version = 14 : i64} {
  func.func @_sub_body(%arg0: memref<4x784x128xf32, #tpu.memory_space<vmem>>, %arg1: memref<4x784x128xf32, #tpu.memory_space<vmem>>, %arg2: memref<4x784x128xf32, #tpu.memory_space<vmem>>) attributes {dimension_semantics = [], scalar_prefetch = 0 : i64, scratch_operands = 0 : i64, tpu.core_type = #tpu.core_type<tc>} {
    %get3A = arith.constant 0 : index
    %get3A_0 = arith.constant 0 : index
    %get3A_1 = arith.constant 0 : index
    %get3A_2 = vector.load %arg0[%get3A, %get3A_0, %get3A_1] : memref<4x784x128xf32, #tpu.memory_space<vmem>>, vector<4x784x128xf32>
    %get3A_3 = arith.constant 0 : index
    %get3A_4 = arith.constant 0 : index
    %get3A_5 = arith.constant 0 : index
    %get3A_6 = vector.load %arg1[%get3A_3, %get3A_4, %get3A_5] : memref<4x784x128xf32, #tpu.memory_space<vmem>>, vector<4x784x128xf32>
    %sub3A = arith.subf %get3A_2, %get3A_6 : vector<4x784x128xf32>
    %swap3A = arith.constant 0 : index
    %swap3A_7 = arith.constant 0 : index
    %swap3A_8 = arith.constant 0 : index
    %swap3A_9 = vector.load %arg2[%swap3A, %swap3A_7, %swap3A_8] : memref<4x784x128xf32, #tpu.memory_space<vmem>>, vector<4x784x128xf32>
    tpu.vector_store %arg2[%swap3A, %swap3A_7, %swap3A_8], %sub3A {strides = array<i32>} : memref<4x784x128xf32, #tpu.memory_space<vmem>>, vector<4x784x128xf32>,
    return
  }
}

module attributes {stable_mosaic.version = 14 : i64} {
  func.func @_loss_body(%arg0: memref<8x4x784x128xf32, #tpu.memory_space<vmem>>, %arg1: memref<4x784x128xf32, #tpu.memory_space<vmem>>, %arg2: memref<1x1xf32, #tpu.memory_space<smem>>) attributes {dimension_semantics = [], scalar_prefetch = 0 : i64, scratch_operands = 0 : i64, tpu.core_type = #tpu.core_type<tc>} {
    %get3A = arith.constant 0 : index
    %get3A_0 = arith.constant 0 : index
    %get3A_1 = arith.constant 0 : index
    %get3A_2 = arith.constant 0 : index
    %get3A_3 = vector.load %arg0[%get3A, %get3A_0, %get3A_1, %get3A_2] : memref<8x4x784x128xf32, #tpu.memory_space<vmem>>, vector<1x4x784x128xf32>
    %get3A_4 = vector.shape_cast %get3A_3 : vector<1x4x784x128xf32> to vector<4x784x128xf32>
    %get3A_5 = arith.constant 1 : index
    %get3A_6 = arith.constant 0 : index
    %get3A_7 = arith.constant 0 : index
    %get3A_8 = arith.constant 0 : index
    %get3A_9 = vector.load %arg0[%get3A_5, %get3A_6, %get3A_7, %get3A_8] : memref<8x4x784x128xf32, #tpu.memory_space<vmem>>, vector<1x4x784x128xf32>
    %get3A_10 = vector.shape_cast %get3A_9 : vector<1x4x784x128xf32> to vector<4x784x128xf32>
    %add3A = arith.addf %get3A_4, %get3A_10 : vector<4x784x128xf32>
    %get3A_11 = arith.constant 2 : index
    %get3A_12 = arith.constant 0 : index
    %get3A_13 = arith.constant 0 : index
    %get3A_14 = arith.constant 0 : index
    %get3A_15 = vector.load %arg0[%get3A_11, %get3A_12, %get3A_13, %get3A_14] : memref<8x4x784x128xf32, #tpu.memory_space<vmem>>, vector<1x4x784x128xf32>
    %get3A_16 = vector.shape_cast %get3A_15 : vector<1x4x784x128xf32> to vector<4x784x128xf32>
    %add3A_17 = arith.addf %add3A, %get3A_16 : vector<4x784x128xf32>
    %get3A_18 = arith.constant 3 : index
    %get3A_19 = arith.constant 0 : index
    %get3A_20 = arith.constant 0 : index
    %get3A_21 = arith.constant 0 : index
    %get3A_22 = vector.load %arg0[%get3A_18, %get3A_19, %get3A_20, %get3A_21] : memref<8x4x784x128xf32, #tpu.memory_space<vmem>>, vector<1x4x784x128xf32>
    %get3A_23 = vector.shape_cast %get3A_22 : vector<1x4x784x128xf32> to vector<4x784x128xf32>
    %add3A_24 = arith.addf %add3A_17, %get3A_23 : vector<4x784x128xf32>
    %get3A_25 = arith.constant 4 : index
    %get3A_26 = arith.constant 0 : index
    %get3A_27 = arith.constant 0 : index
    %get3A_28 = arith.constant 0 : index
    %get3A_29 = vector.load %arg0[%get3A_25, %get3A_26, %get3A_27, %get3A_28] : memref<8x4x784x128xf32, #tpu.memory_space<vmem>>, vector<1x4x784x128xf32>
    %get3A_30 = vector.shape_cast %get3A_29 : vector<1x4x784x128xf32> to vector<4x784x128xf32>
    %add3A_31 = arith.addf %add3A_24, %get3A_30 : vector<4x784x128xf32>
    %get3A_32 = arith.constant 5 : index
    %get3A_33 = arith.constant 0 : index
    %get3A_34 = arith.constant 0 : index
    %get3A_35 = arith.constant 0 : index
    %get3A_36 = vector.load %arg0[%get3A_32, %get3A_33, %get3A_34, %get3A_35] : memref<8x4x784x128xf32, #tpu.memory_space<vmem>>, vector<1x4x784x128xf32>
    %get3A_37 = vector.shape_cast %get3A_36 : vector<1x4x784x128xf32> to vector<4x784x128xf32>
    %add3A_38 = arith.addf %add3A_31, %get3A_37 : vector<4x784x128xf32>
    %get3A_39 = arith.constant 6 : index
    %get3A_40 = arith.constant 0 : index
    %get3A_41 = arith.constant 0 : index
    %get3A_42 = arith.constant 0 : index
    %get3A_43 = vector.load %arg0[%get3A_39, %get3A_40, %get3A_41, %get3A_42] : memref<8x4x784x128xf32, #tpu.memory_space<vmem>>, vector<1x4x784x128xf32>
    %get3A_44 = vector.shape_cast %get3A_43 : vector<1x4x784x128xf32> to vector<4x784x128xf32>
    %add3A_45 = arith.addf %add3A_38, %get3A_44 : vector<4x784x128xf32>
    %get3A_46 = arith.constant 7 : index
    %get3A_47 = arith.constant 0 : index
    %get3A_48 = arith.constant 0 : index
    %get3A_49 = arith.constant 0 : index
    %get3A_50 = vector.load %arg0[%get3A_46, %get3A_47, %get3A_48, %get3A_49] : memref<8x4x784x128xf32, #tpu.memory_space<vmem>>, vector<1x4x784x128xf32>
    %get3A_51 = vector.shape_cast %get3A_50 : vector<1x4x784x128xf32> to vector<4x784x128xf32>
    %add3A_52 = arith.addf %add3A_45, %get3A_51 : vector<4x784x128xf32>
    %slice3A = vector.extract_strided_slice %add3A_52 {offsets = [3, 0, 0], sizes = [1, 784, 128], strides = [1, 1, 1]} : vector<4x784x128xf32> to vector<1x784x128xf32>
    %squeeze3A = vector.shape_cast %slice3A : vector<1x784x128xf32> to vector<784x128xf32>
    %max3A = arith.constant 1.000000e+00 : f32
    %max3A_53 = vector.broadcast %max3A : f32 to vector<784x128xf32>
    %max3A_54 = arith.maximumf %squeeze3A, %max3A_53 : vector<784x128xf32>
    %slice3A_55 = vector.extract_strided_slice %add3A_52 {offsets = [0, 0, 0], sizes = [3, 784, 128], strides = [1, 1, 1]} : vector<4x784x128xf32> to vector<3x784x128xf32>
    %broadcast_in_dim3A = vector.shape_cast %max3A_54 : vector<784x128xf32> to vector<1x784x128xf32>
    %div3A = vector.broadcast %broadcast_in_dim3A : vector<1x784x128xf32> to vector<3x784x128xf32>
    %div3A_56 = arith.divf %slice3A_55, %div3A : vector<3x784x128xf32>
    %get3A_57 = arith.constant 0 : index
    %get3A_58 = arith.constant 0 : index
    %get3A_59 = arith.constant 0 : index
    %get3A_60 = vector.load %arg1[%get3A_57, %get3A_58, %get3A_59] : memref<4x784x128xf32, #tpu.memory_space<vmem>>, vector<3x784x128xf32>
    %sub3A = arith.subf %div3A_56, %get3A_60 : vector<3x784x128xf32>
    %abs3A = math.absf %sub3A : vector<3x784x128xf32>
    %reduce_sum3A = vector.shape_cast %abs3A : vector<3x784x128xf32> to vector<1x3x784x128xf32>
    %reduce_sum3A_61 = arith.constant dense<0.000000e+00> : vector<1xf32>
    %reduce_sum3A_62 = vector.multi_reduction <add>, %reduce_sum3A, %reduce_sum3A_61 [1, 2, 3] : vector<1x3x784x128xf32> to vector<1xf32>
    %reduce_sum3A_63 = vector.shape_cast %reduce_sum3A_62 : vector<1xf32> to vector<1x1x1x1xf32>
    %reduce_sum3A_64 = vector.extract %reduce_sum3A_63[0, 0, 0, 0] : f32 from vector<1x1x1x1xf32>
    %mul3A = arith.constant 3.33333332E-6 : f32
    %mul3A_65 = arith.mulf %reduce_sum3A_64, %mul3A : f32
    %swap3A = arith.constant 0 : index
    %swap3A_66 = arith.constant 0 : index
    %swap3A_67 = memref.load %arg2[%swap3A, %swap3A_66] : memref<1x1xf32, #tpu.memory_space<smem>>
    memref.store %mul3A_65, %arg2[%swap3A, %swap3A_66] : memref<1x1xf32, #tpu.memory_space<smem>>
    return
  }
}

</mosaic_0001>

<sc_bundles>
// kernel: kernel.5.cloned.1.call-start
scs
__scs_entry_jumppad:
0x0: {  	(pc) =	sbr.rel $0x88, $3  }
0x1: {  	(tag) =	ssettag $0x0;
	lr =	simm.s32 $0x1  }
0x2: {  	[smem:$0x3F9E] =	sst lr;
	_ =	strace $0xD0000000  }
0x3: {  	_ = 	snop  }
0x4: {  	_ = 	snop  }
0x5: {  	_ = 	snop  }
0x6: {  	_ = 	snop  }
0x7: {  	_ = 	snop  }
__scs_overlays_trampoline_lowered:
0x8: {  	[smem:$0x3FAD] =	sst s0  }
0x9: {  	[smem:$0x3FAE] =	sst s1  }
0xa: {  	[smem:$0x3FAF] =	sst s2  }
0xb: {  	[smem:$0x3FB0] =	sst s3  }
0xc: {  	[smem:$0x3FB1] =	sst s4  }
0xd: {  	[smem:$0x3FB2] =	sst s5  }
0xe: {  	[smem:$0x3FB3] =	sst s6  }
0xf: {  	[smem:$0x3FB4] =	sst s7  }
0x10: {  	[smem:$0x3FB5] =	sst s8  }
0x11: {  	[smem:$0x3FB6] =	sst s9;
	s0 =	simm.s32 @!p0 $0x0  }
0x12: {  	s1 =	sld [smem:$0x3F9C];
	s0 =	simm.s32 @p0 $0x1  }
0x13: {  	[smem:$0x3FB7] =	sst s0;
	s0 =	simm.s32 @!p1 $0x0  }
0x14: {  	s2 =	sld [smem:$0x3F9B];
	s0 =	simm.s32 @p1 $0x1  }
0x15: {  	[smem:$0x3FB8] =	sst s0;
	s0 =	simm.s32 @!p2 $0x0  }
0x16: {  	s3 =	sld [smem:$0x3FDB];
	s0 =	simm.s32 @p2 $0x1  }
0x17: {  	s4 =	simm.s32 $0x1BF5;
	[smem:$0x3FBA] =	sst s0  }
0x18: {  	s0 =	sld [smem:$0x3F9D];
	_ =	swait.ge [sflag:s4], $0x0  }
0x19: {  	s7 =	sld [smem:$0x3F9E]  }
0x1a: {  	s8 =	sadd.s32 $0xFFFFE003, lr  }
0x1b: {  	s9 =	sadd.s32 $0xFFFFFEF7, lr;
	s5 =	simm.s32 $0xFFFFFFFF;
	p2 =	slt.u32 s8, $0xFFFFF086  }
0x1c: {  	p1 =	slt.u32 s9, $0xF7A;
	s5 =	simm.s32 @!p2 $0x0  }
0x1d: {  	s5 =	simm.s32 @p1 $0x1;
	p0 =	seq.s32 s7, s2  }
0x1e: {  	s7 =	smul.u32 @!p0 $0xF7A, s2;
	p2 =	seq.s32 @!p0 s5, $0x0  }
0x1f: {  	s9 =	smul.u32 $0xF7A, s1;
	s8 =	simm.s32 @!p0 $0x1BF5;
	p2 =	por !p2, p0  }
0x20: {  	[sflag:s8] =	ssyncset.s32 @!p0 $0xFFFFF086;
	s6 =	sadd.s32 @!p0 s3, s7;
	s7 =	simm.s32 @!p0 $0x108  }
0x21: {  	s3 =	sadd.s32 s3, s9;
	s6 =	sadd.s32 @!p0 $0x88, s6;
	s7 =	simm.s32 @p2 $0x1082  }
0x22: {  	[simem:s7], [sflag:s8] =	dma.local @!p0 [hbm:s6], $0xF7A  }
0x23: {  	s9 =	sor.u32 $0xD0000000, s2;
	s6 =	simm.s32 $0x108;
	_ =	swait.ge @!p0 [sflag:s8], $0x0  }
0x24: {  	s3 =	sadd.s32 $0x88, s3;
	s6 =	simm.s32 @!p1 $0x1082;
	[sflag:s4] =	ssyncset.s32 $0xFFFFF086  }
0x25: {  	[simem:s6], [sflag:s4] =	dma.local [hbm:s3], $0xF7A  }
0x26: {  	[smem:$0x3F9E] =	sst s1;
	(tag) =	ssettag s2;
	_ =	strace s9  }
0x27: {  	s1 =	sld [smem:$0x3FAE]  }
0x28: {  	s2 =	sld [smem:$0x3FAF]  }
0x29: {  	s4 =	sld [smem:$0x3FB1]  }
0x2a: {  	p0 =	seq.s32 s5, $0x0;
	s5 =	sld [smem:$0x3FB2]  }
0x2b: {  	s6 =	sld [smem:$0x3FB3]  }
0x2c: {  	s7 =	sld [smem:$0x3FB4]  }
0x2d: {  	s3 =	simm.s32 $0x108;
	s8 =	sld [smem:$0x3FB5]  }
0x2e: {  	s3 =	simm.s32 @!p0 $0x1082;
	s9 =	sld [smem:$0x3FB6]  }
0x2f: {  	lr =	sadd.s32 s0, s3;
	s0 =	sld [smem:$0x3FAD]  }
0x30: {  	s3 =	sld [smem:$0x3FB0]  }
0x31: {  	[smem:$0x3FB9] =	sst s10  }
0x32: {  	s10 =	sld [smem:$0x3FB7];
	_ =	sdelay $0x3  }
0x33: {  	p0 =	seq.s32 s10, $0x1;
	s10 =	sld [smem:$0x3FB9];
	_ =	sdelay $0x3  }
0x34: {  	[smem:$0x3FB9] =	sst s10  }
0x35: {  	s10 =	sld [smem:$0x3FB8];
	_ =	sdelay $0x3  }
0x36: {  	p1 =	seq.s32 s10, $0x1;
	s10 =	sld [smem:$0x3FB9];
	_ =	sdelay $0x3  }
0x37: {  	[smem:$0x3FB9] =	sst s10  }
0x38: {  	s10 =	sld [smem:$0x3FBA]  }
0x39: {  	_ = 	snop;
	(pc) =	sbr.ind lr, $3  }
0x3a: {  	_ = 	snop  }
0x3b: {  	_ = 	snop  }
0x3c: {  	p2 =	seq.s32 s10, $0x1;
	s10 =	sld [smem:$0x3FB9]  }
0x3d: {  	_ =	shalt  }
0x3e: {  	_ =	shalt  }
0x3f: {  	_ =	shalt  }
0x40: {  	_ =	shalt  }
0x41: {  	_ =	shalt  }
0x42: {  	_ =	shalt  }
0x43: {  	_ =	shalt  }
0x44: {  	_ =	shalt  }
0x45: {  	_ =	shalt  }
0x46: {  	_ =	shalt  }
0x47: {  	_ =	shalt  }
0x48: {  	_ =	shalt  }
0x49: {  	_ =	shalt  }
0x4a: {  	_ =	shalt  }
0x4b: {  	_ =	shalt  }
0x4c: {  	_ =	shalt  }
0x4d: {  	_ =	shalt  }
0x4e: {  	_ =	shalt  }
0x4f: {  	_ =	shalt  }
0x50: {  	_ =	shalt  }
0x51: {  	_ =	shalt  }
0x52: {  	_ =	shalt  }
0x53: {  	_ =	shalt  }
0x54: {  	_ =	shalt  }
0x55: {  	_ =	shalt  }
0x56: {  	_ =	shalt  }
0x57: {  	_ =	shalt  }
0x58: {  	_ =	shalt  }
0x59: {  	_ =	shalt  }
0x5a: {  	_ =	shalt  }
0x5b: {  	_ =	shalt  }
0x5c: {  	_ =	shalt  }
0x5d: {  	_ =	shalt  }
0x5e: {  	_ =	shalt  }
0x5f: {  	_ =	shalt  }
0x60: {  	_ =	shalt  }
0x61: {  	_ =	shalt  }
0x62: {  	_ =	shalt  }
0x63: {  	_ =	shalt  }
0x64: {  	_ =	shalt  }
0x65: {  	_ =	shalt  }
0x66: {  	_ =	shalt  }
0x67: {  	_ =	shalt  }
0x68: {  	_ =	shalt  }
0x69: {  	_ =	shalt  }
0x6a: {  	_ =	shalt  }
0x6b: {  	_ =	shalt  }
0x6c: {  	_ =	shalt  }
0x6d: {  	_ =	shalt  }
0x6e: {  	_ =	shalt  }
0x6f: {  	_ =	shalt  }
0x70: {  	_ =	shalt  }
0x71: {  	_ =	shalt  }
0x72: {  	_ =	shalt  }
0x73: {  	_ =	shalt  }
0x74: {  	_ =	shalt  }
0x75: {  	_ =	shalt  }
0x76: {  	_ =	shalt  }
0x77: {  	_ =	shalt  }
0x78: {  	_ =	shalt  }
0x79: {  	_ =	shalt  }
0x7a: {  	_ =	shalt  }
0x7b: {  	_ =	shalt  }
0x7c: {  	_ =	shalt  }
0x7d: {  	_ =	shalt  }
0x7e: {  	_ =	shalt  }
0x7f: {  	_ =	shalt  }
0x80: {  	_ =	shalt  }
0x81: {  	_ =	shalt  }
0x82: {  	_ =	shalt  }
0x83: {  	_ =	shalt  }
0x84: {  	_ =	shalt  }
0x85: {  	_ =	shalt  }
0x86: {  	_ =	shalt  }
0x87: {  	_ =	shalt  }
.Lfunc_end0:
.L_simem_size_0:
called_computation_lowered:
.L_overlay_start_0:
0x88: {  	s2 =	sld [smem:$0x3FD9]  }
0x89: {  	s3 =	sld [smem:$0x3FFE];
	_ =	sdelay $0x1  }
0x8a: {  	s1 =	srdreg.scid  }
0x8b: {  	s0 =	sand.u32 $0x1, s1  }
0x8c: {  	s16 =	sshll.u32 s0, $0xA;
	s2 =	sadd.s32 s3, s2  }
0x8d: {  	s2 =	sadd.s32 s2, s16  }
0x8e: {  	[smem:$0x3FC5] =	sst s2  }
0x8f: {  	_ = 	snop  }
0x90: {  	(tm) =	ssettm $0x1  }
0x91: {  	s17 =	sld [smem:$0x3FFB];
	_ =	sdelay $0x3  }
0x92: {  	_ =	strace s17  }
0x93: {  	s2 =	sld [smem:$0x3FFC];
	_ =	sdelay $0x3  }
0x94: {  	_ =	strace s2  }
0x95: {  	s2 =	sld [smem:$0x3FFD];
	_ =	sdelay $0x3  }
0x96: {  	_ =	strace s2  }
0x97: {  	_ =	strace $0x8FFFFFFF  }
0x98: {  	s18 =	sld [smem:$0x3FDB];
	_ =	sdelay $0x1  }
0x99: {  	s19 =	simm.s32 $_scs_section_size  }
0x9a: {  	s4 =	simm.s32 $_size__tile_overlayer_lowered;
	s5 =	simm.s32 $_tile_overlayer_lowered  }
0x9b: {  	s22 =	simm.s32 $0x1BFF;
	s21 =	sshll.u32 s5, $0x1;
	s2 =	sadd.s32 s19, s18  }
0x9c: {  	s6 =	simm.s32 $0x0;
	s20 =	sshll.u32 s4, $0x1;
	s4 =	sadd.s32 s21, s2  }
0x9d: {  	[timem:s6], [sflag:s22] =	dma.local [hbm:s4], s20  }
0x9e: {  	_ =	swait.ge [sflag:s22], s20  }
0x9f: {  	s3 =	ssub.s32 $0x0, s20;
	[sflag:s22] =	ssyncset.done $0x0  }
0xa0: {  	[sflag:s22] =	ssyncadd.s32 s3;
	_ =	sdelay $0x1  }
0xa1: {  	s23 =	simm.s32 $0x1B8B  }
0xa2: {  	_ =	swait.ge [sflag:s23], $0x1  }
0xa3: {  	[sflag:s23] =	ssyncset.done $0x0  }
0xa4: {  	s25 =	simm.s32 $0x1B8E;
	s24 =	sld [smem:$0x3FFE];
	[sflag:s23] =	ssyncadd.s32 $0xFFFFFFFF  }
0xa5: {  	s26 =	simm.s32 $execute0_lowered;
	[smem:$0x3FD2] =	sst s25  }
0xa6: {  	s4 =	sshll.u32 s26, $0x1;
	_ =	strace $0x80000046;
	[dreg:$0x1] =	wrdreg $0xFFFFFFFF  }
0xa7: {  	s28 =	simm.s32 $_size_execute0_lowered;
	s2 =	sadd.s32 s2, s4;
	[dreg:$0x0] =	wrdreg $0x0  }
0xa8: {  	s4 =	sshll.u32 s28, $0x1;
	[dreg:$0x2] =	wrdreg s2  }
0xa9: {  	[dreg:$0x3] =	wrdreg s4  }
0xaa: {  	[dreg:$0x4] =	wrdreg $0xC0  }
0xab: {  	_ =	task [dreg:s6], $0x5FFFF  }
0xac: {  	[dreg:$0x1] =	wrdreg $0xFFFFFFFF  }
0xad: {  	[dreg:$0x0] =	wrdreg $0x60  }
0xae: {  	[dreg:$0x2] =	wrdreg s24  }
0xaf: {  	[dreg:$0x3] =	wrdreg $0x9  }
0xb0: {  	_ =	task.clear_ibuf [dreg:s6], $0x4FFFF;
	_ =	strace $0x90000046  }
0xb1: {  	s29 =	simm.s32 $0x9;
	_ =	strace $0x80000048  }
0xb2: {  	_ =	swait.ge [sflag:s29], $0x1  }
0xb3: {  	[sflag:s29] =	ssyncadd.s32 $0xFFFFFFFF  }
0xb4: {  	_ =	strace $0x90000048  }
0xb5: {  	_ =	sfence  }
0xb6: {  	s30 =	sld [smem:$0x0];
	_ =	sdelay $0x2  }
0xb7: {  	s31 =	sshll.u32 s1, $0xD;
	s1 =	sshrl.u32 s1, $0x2  }
0xb8: {  	s3 =	sand.u32 $0x4000, s31;
	s1 =	sadd.s32 s1, s30  }
0xb9: {  	s0 =	sor.u32 s3, s0;
	s1 =	sshll.u32 s1, $0x11  }
0xba: {  	s0 =	sor.u32 s1, s0  }
0xbb: {  	s0 =	sadd.s32 $0x8F2B, s0  }
0xbc: {  	[sflag:s0] =	ssyncadd.remote.s32 $0x1  }
0xbd: {  	_ =	sfence.sel $0xFFFF  }
0xbe: {  	[dreg:$0x0] =	wrdreg $0xFFFFFFFF;
	(pc) =	sbr.abs _section_cstart, $3  }
0xbf: {  	[dreg:$0x1] =	wrdreg $0xFFFFFFFF  }
0xc0: {  	_ =	task.clear_ibuf [dreg:s6], $0x2FFFF;
	_ =	strace $0x9FFFFFFF  }
0xc1: {  	(tm) =	ssettm $0x7FFFFFFF  }
tec
execute0_lowered:
.L_overlay_start_1:
0x0: {  	(tag) =	ssettag $0x1  }
0x1: {  	s5 =	rddreg [dreg:$0x0]  }
0x2: {  	s1 =	stileid.u32;
	s0 =	rddreg [dreg:$0x1]  }
0x3: {  	s4 =	srdreg.scid;
	s2 =	simm.s32 $0x0;
	s12 =	simm.s32 $0x18800  }
0x4: {  	s13 =	simm.s32 $0x1F000;
	s14 =	simm.s32 $0x0;
	s30 =	sand.u32 $0x1, s4  }
0x5: {  	s3 =	sand.u32 $0x3, s1;
	s6 =	sshrl.u32 s1, $0x2;
	s4 =	sshll.u32 s30, $0x2  }
0x6: {  	[smem:$0x7FF] =	sst s2;
	s8 =	smul.u32 $0x18800, s3;
	s6 =	sor.u32 s6, s4  }
0x7: {  	_ =	strace $0x80000047;
	s9 =	ssub.s32 $0x2, s30;
	s3 =	smul.u32 $0x12C00, s6  }
.Ltmp0:
0x8: {  	s4 =	sadd.s32 $0x1000, s5;
	s10 =	sshrl.u32 s9, $0x1;
	(pc) =	sbr.rel .LBB2_1-.Ltmp0, $4  }
0x9: {  	s7 =	sshrl.u32 s8, $0x3;
	s11 =	smul.u32 $0x62000, s6;
	s9 =	ssub.s32 s9, s10  }
0xa: {  	s10 =	simm.s32 $0x3;
	s7 =	sadd.s32 s7, s5;
	s5 =	sadd.s32 $0x20000, s5  }
0xb: {  	s9 =	smax.u32 s9, $0x1;
	s31 =	sshrl.u32 s3, $0x3;
	s6 =	sadd.s32 $0x13C00, s7  }
0xc: {  	v0 =	vimm.f32 $0.0e+00;
	s8 =	sadd.s32 s8, s11;
	s11 =	simm.s32 $0x1EA00;
	s7 =	sadd.s32 s4, s31  }
.LBB2_18:
0xd: {  	s14 =	sadd.s32 $0x1, s14  }
0xe: {  	p0 =	sne.s32 s14, s9  }
.Ltmp1:
0xf: {  	_ = 	snop;
	(pc) =	sbr.rel @!p0 .LBB2_19-.Ltmp1, $1  }
0x10: {  	_ =	sdelay $0x3  }
.LBB2_1:
.Ltmp2:
0x11: {  	(pc) =	sbr.rel .LBB2_2-.Ltmp2, $4  }
0x12: {  	[tilespmem:s2], [sflag:$0x3] =	stream.linear.gather [hbm4b:s6+s2], $0x18800, $0x38;
	[tilespmem:$0x1F600] =	vst v63  }
0x13: {  	_ =	swait.ge [sflag:s10], $0x18800  }
0x14: {  	[sflag:s10] =	ssyncset.done $0x0  }
0x15: {  	s15 =	simm.s32 $0x0;
	[sflag:s10] =	ssyncadd.s32 $0xFFFE7800  }
.LBB2_17:
0x16: {  	s16 =	sadd.s32 s16, s8;
	s15 =	sadd.s32 $0x1, s15  }
0x17: {  	s16 =	sshrl.u32 s16, $0x3;
	p0 =	sne.s32 s15, $0x4  }
.Ltmp3:
0x18: {  	s16 =	sadd.s32 s5, s16;
	(pc) =	sbr.rel @!p0 .LBB2_18-.Ltmp3, $4  }
0x19: {  	[hbm4b:s16+s2] =	stream.linear.scatter [tilespmem:s12], [sflag:$0x3], $0x6200, $0x38;
	[tilespmem:$0x1F600] =	vst v63  }
0x1a: {  	_ =	swait.ge [sflag:s10], $0x6200  }
0x1b: {  	[sflag:s10] =	ssyncset.done $0x0  }
0x1c: {  	[sflag:s10] =	ssyncadd.s32 $0xFFFF9E00  }
.LBB2_2:
0x1d: {  	s16 =	simm.s32 $0x40;
	s17 =	simm.s32 $0x0  }
.LBB2_3:
0x1e: {  	p0 =	sne.s32 s16, $0x187C0;
	[tilespmem:s17+$0x18800] =	vst v0;
	s17 =	smov.u32 s16;
	s16 =	sadd.s32 $0x40, s16  }
.Ltmp4:
0x1f: {  	(pc) =	sbr.rel @p0 .LBB2_3-.Ltmp4, $2  }
0x20: {  	_ =	sdelay $0x2  }
0x21: {  	s17 =	sshra.s32 s17, $0x2  }
.Ltmp5:
0x22: {  	(pc) =	sbr.rel .LBB2_5-.Ltmp5, $4  }
0x23: {  	_ = 	snop  }
0x24: {  	s16 =	smul.u32 $0x6200, s15  }
0x25: {  	[tilespmem:s17+$0x18800] =	vst v0;
	s17 =	simm.s32 $0x0  }
0x26: {  	[tilespmem:s11], [sflag:$0x1] =	stream.linear.gather [hbm4b:s7+s17], $0x600, $0x38;
	v1 =	vmov s16;
	[tilespmem:$0x1F600] =	vst v63  }
.LBB2_15:
0x27: {  	_ =	sdelay $0x4  }
0x28: {  	[tilespmem:v3+s12+$0x0] =	vst.idx.add.f32.msk vm0, v5  }
0x29: {  	[tilespmem:v2+s12+$0x0] =	vst.idx.add.f32.msk vm1, v4  }
.LBB2_16:
0x2a: {  	p0 =	sne.s32 s17, $0x32  }
.Ltmp6:
0x2b: {  	_ = 	snop;
	(pc) =	sbr.rel @!p0 .LBB2_17-.Ltmp6, $1  }
0x2c: {  	_ =	sdelay $0x3  }
.LBB2_5:
0x2d: {  	s18 =	sand.u32 $0x1, s17;
	p1 =	seq.s32 s17, $0x31  }
.Ltmp7:
0x2e: {  	p0 =	seq.s32 s18, $0x0;
	s18 =	simm.s32 $0x1;
	(pc) =	sbr.rel @!p1 .LBB2_6-.Ltmp7, $4  }
0x2f: {  	s18 =	simm.s32 @!p0 $0x2  }
0x30: {  	_ =	swait.ge [sflag:s18], $0x600  }
0x31: {  	[sflag:s18] =	ssyncset.done $0x0  }
0x32: {  	s17 =	sadd.s32 $0x1, s17;
	[sflag:s18] =	ssyncadd.s32 $0xFFFFFA00  }
.LBB2_13:
0x33: {  	s18 =	simm.s32 $0x0  }
0x34: {  	v2 =	vld [tilespmem:s18+$0x1F000]  }
0x35: {  	v3 =	vld [tilespmem:s18+$0x1F200];
	_ =	sdelay $0x1  }
0x36: {  	v4 =	vld [tilespmem:s18+$0x1F400];
	_ =	sdelay $0x4  }
0x37: {  	v5 =	vld.idx.msk [tilespmem:v2+s2+$0x0], $0xffff  }
0x38: {  	v6 =	vld.idx.msk [tilespmem:v3+s2+$0x0], $0xffff;
	_ =	sdelay $0x1  }
0x39: {  	v8 =	vsub.s32 v2, v1;
	v7 =	vld.idx.msk [tilespmem:v4+s2+$0x0], $0xffff  }
0x3a: {  	v10 =	vsub.s32 v4, v1;
	v9 =	vand.u32 $0xFFFFFFF8, v8;
	vm2 =	vlt.u32 v8, $0x6200  }
0x3b: {  	v12 =	vand.u32 $0xFFFFFFF8, v10;
	vm1 =	vlt.u32 v10, $0x6200;
	v2 =	vand.u32 $0x7, v2  }
0x3c: {  	v9 =	vor.u32 v2, v9;
	v2 =	vsub.s32 v3, v1;
	v63 =	vadd.f32 v6, v5  }
0x3d: {  	v3 =	vand.u32 $0x7, v3;
	v11 =	vand.u32 $0xFFFFFFF8, v2;
	vm0 =	vlt.u32 v2, $0x6200  }
0x3e: {  	v4 =	vand.u32 $0x7, v4;
	v3 =	vor.u32 v3, v11;
	v8 =	vadd.f32 v7, v63  }
0x3f: {  	v2 =	vor.u32 v4, v12  }
0x40: {  	v13 =	vsub.f32 v8, v5  }
0x41: {  	v5 =	vsub.f32 v8, v6  }
0x42: {  	s18 =	simm.s32 $0x40;
	v4 =	vsub.f32 v8, v7;
	[tilespmem:v9+s12+$0x0] =	vst.idx.add.f32.msk vm2, v13  }
.LBB2_14:
0x43: {  	p0 =	sne.s32 s18, $0x7C0;
	[tilespmem:v3+s12+$0x0] =	vst.idx.add.f32.msk vm0, v5;
	s19 =	smov.u32 s18;
	s18 =	sadd.s32 $0x40, s18  }
0x44: {  	s19 =	sshra.s32 s19, $0x2;
	[tilespmem:v2+s12+$0x0] =	vst.idx.add.f32.msk vm1, v4  }
0x45: {  	v2 =	vld [tilespmem:s19+$0x1F000]  }
0x46: {  	v3 =	vld [tilespmem:s19+$0x1F200]  }
0x47: {  	v4 =	vld [tilespmem:s19+$0x1F400];
	_ =	sdelay $0x2  }
0x48: {  	v5 =	vsub.s32 v2, v1  }
0x49: {  	v6 =	vsub.s32 v3, v1;
	v7 =	vand.u32 $0xFFFFFFF8, v5  }
0x4a: {  	v8 =	vsub.s32 v4, v1;
	v9 =	vand.u32 $0xFFFFFFF8, v6  }
0x4b: {  	v10 =	vld.idx.msk [tilespmem:v2+s2+$0x0], $0xffff;
	v11 =	vand.u32 $0xFFFFFFF8, v8  }
0x4c: {  	v12 =	vld.idx.msk [tilespmem:v3+s2+$0x0], $0xffff  }
0x4d: {  	v13 =	vld.idx.msk [tilespmem:v4+s2+$0x0], $0xffff;
	_ =	sdelay $0x3  }
0x4e: {  	vm2 =	vlt.u32 v5, $0x6200;
	v2 =	vand.u32 $0x7, v2;
	v3 =	vand.u32 $0x7, v3  }
0x4f: {  	vm0 =	vlt.u32 v6, $0x6200;
	v6 =	vor.u32 v2, v7;
	v5 =	vadd.f32 v12, v10  }
0x50: {  	vm1 =	vlt.u32 v8, $0x6200;
	v2 =	vand.u32 $0x7, v4;
	v3 =	vor.u32 v3, v9  }
.Ltmp8:
0x51: {  	v2 =	vor.u32 v2, v11;
	v4 =	vadd.f32 v13, v5;
	(pc) =	sbr.rel @p0 .LBB2_14-.Ltmp8, $4  }
0x52: {  	_ = 	snop  }
0x53: {  	v7 =	vsub.f32 v4, v10;
	v5 =	vsub.f32 v4, v12  }
0x54: {  	v4 =	vsub.f32 v4, v13  }
0x55: {  	[tilespmem:v6+s12+$0x0] =	vst.idx.add.f32.msk vm2, v7  }
.Ltmp9:
0x56: {  	_ = 	snop;
	(pc) =	sbr.rel .LBB2_15-.Ltmp9, $1  }
0x57: {  	_ =	sdelay $0x3  }
.LBB2_6:
0x58: {  	s19 =	sand.u32 $0x1, s17  }
0x59: {  	s18 =	smul.u32 $0x600, s17;
	p1 =	seq.s32 s19, $0x1  }
.Ltmp10:
0x5a: {  	_ = 	snop;
	(pc) =	sbr.rel @!p1 .LBB2_7-.Ltmp10, $4  }
0x5b: {  	_ = 	snop  }
0x5c: {  	s18 =	sadd.s32 s3, s18  }
0x5d: {  	s18 =	sshrl.u32 s18, $0x3  }
0x5e: {  	s18 =	sadd.s32 s4, s18  }
.Ltmp11:
0x5f: {  	(pc) =	sbr.rel @!p0 .LBB2_13-.Ltmp11, $4  }
.Ltmp12:
0x60: {  	(pc) =	sbr.rel @p0 .LBB2_10-.Ltmp12, $4  }
0x61: {  	_ = 	snop  }
0x62: {  	_ = 	snop  }
0x63: {  	[tilespmem:s13], [sflag:$0x2] =	stream.linear.gather [hbm4b:s18+s2], $0x600, $0x38;
	[tilespmem:$0x1F600] =	vst v63  }
0x64: {  	_ = 	snop  }
.LBB2_7:
.Ltmp13:
0x65: {  	(pc) =	sbr.rel @!p0 .LBB2_13-.Ltmp13, $2  }
0x66: {  	_ =	sdelay $0x2  }
0x67: {  	[tilespmem:s11], [sflag:$0x1] =	stream.linear.gather [hbm4b:s18+s2], $0x600, $0x38;
	[tilespmem:$0x1F600] =	vst v63  }
0x68: {  	[tilespmem:s13], [sflag:$0x2] =	stream.linear.gather [hbm4b:s18+s2], $0x600, $0x38;
	[tilespmem:$0x1F600] =	vst v63  }
.LBB2_10:
0x69: {  	s18 =	simm.s32 $0x0  }
0x6a: {  	v2 =	vld [tilespmem:s18+$0x1EA00]  }
0x6b: {  	v3 =	vld [tilespmem:s18+$0x1EC00];
	_ =	sdelay $0x1  }
0x6c: {  	v4 =	vld [tilespmem:s18+$0x1EE00];
	_ =	sdelay $0x4  }
0x6d: {  	v5 =	vld.idx.msk [tilespmem:v2+s2+$0x0], $0xffff  }
0x6e: {  	v6 =	vld.idx.msk [tilespmem:v3+s2+$0x0], $0xffff;
	_ =	sdelay $0x1  }
0x6f: {  	v8 =	vsub.s32 v2, v1;
	v7 =	vld.idx.msk [tilespmem:v4+s2+$0x0], $0xffff  }
0x70: {  	v10 =	vsub.s32 v4, v1;
	v9 =	vand.u32 $0xFFFFFFF8, v8;
	vm2 =	vlt.u32 v8, $0x6200  }
0x71: {  	v12 =	vand.u32 $0xFFFFFFF8, v10;
	vm1 =	vlt.u32 v10, $0x6200;
	v2 =	vand.u32 $0x7, v2  }
0x72: {  	v9 =	vor.u32 v2, v9;
	v2 =	vsub.s32 v3, v1;
	v63 =	vadd.f32 v6, v5  }
0x73: {  	v3 =	vand.u32 $0x7, v3;
	v11 =	vand.u32 $0xFFFFFFF8, v2;
	vm0 =	vlt.u32 v2, $0x6200  }
0x74: {  	v4 =	vand.u32 $0x7, v4;
	v3 =	vor.u32 v3, v11;
	v8 =	vadd.f32 v7, v63  }
0x75: {  	v2 =	vor.u32 v4, v12  }
0x76: {  	v13 =	vsub.f32 v8, v5  }
0x77: {  	v5 =	vsub.f32 v8, v6  }
0x78: {  	s18 =	simm.s32 $0x40;
	v4 =	vsub.f32 v8, v7;
	[tilespmem:v9+s12+$0x0] =	vst.idx.add.f32.msk vm2, v13  }
.LBB2_11:
0x79: {  	p0 =	seq.s32 s18, $0x7C0;
	[tilespmem:v3+s12+$0x0] =	vst.idx.add.f32.msk vm0, v5;
	s19 =	smov.u32 s18;
	s18 =	sadd.s32 $0x40, s18  }
0x7a: {  	s19 =	sshra.s32 s19, $0x2;
	[tilespmem:v2+s12+$0x0] =	vst.idx.add.f32.msk vm1, v4  }
0x7b: {  	v2 =	vld [tilespmem:s19+$0x1EA00]  }
0x7c: {  	v3 =	vld [tilespmem:s19+$0x1EC00]  }
0x7d: {  	v4 =	vld [tilespmem:s19+$0x1EE00];
	_ =	sdelay $0x2  }
0x7e: {  	v5 =	vsub.s32 v2, v1  }
0x7f: {  	v6 =	vsub.s32 v3, v1;
	v7 =	vand.u32 $0xFFFFFFF8, v5  }
0x80: {  	v8 =	vsub.s32 v4, v1;
	v9 =	vand.u32 $0xFFFFFFF8, v6  }
0x81: {  	v10 =	vld.idx.msk [tilespmem:v2+s2+$0x0], $0xffff;
	v11 =	vand.u32 $0xFFFFFFF8, v8  }
0x82: {  	v12 =	vld.idx.msk [tilespmem:v3+s2+$0x0], $0xffff  }
0x83: {  	v13 =	vld.idx.msk [tilespmem:v4+s2+$0x0], $0xffff;
	_ =	sdelay $0x3  }
0x84: {  	vm2 =	vlt.u32 v5, $0x6200;
	v2 =	vand.u32 $0x7, v2;
	v3 =	vand.u32 $0x7, v3  }
0x85: {  	vm0 =	vlt.u32 v6, $0x6200;
	v6 =	vor.u32 v2, v7;
	v5 =	vadd.f32 v12, v10  }
0x86: {  	vm1 =	vlt.u32 v8, $0x6200;
	v2 =	vand.u32 $0x7, v4;
	v3 =	vor.u32 v3, v9  }
.Ltmp14:
0x87: {  	v2 =	vor.u32 v2, v11;
	v4 =	vadd.f32 v13, v5;
	(pc) =	sbr.rel @!p0 .LBB2_11-.Ltmp14, $4  }
0x88: {  	_ = 	snop  }
0x89: {  	v7 =	vsub.f32 v4, v10;
	v5 =	vsub.f32 v4, v12  }
0x8a: {  	v4 =	vsub.f32 v4, v13  }
0x8b: {  	[tilespmem:v6+s12+$0x0] =	vst.idx.add.f32.msk vm2, v7  }
0x8c: {  	_ =	sdelay $0x1  }
.Ltmp15:
0x8d: {  	_ = 	snop;
	(pc) =	sbr.rel .LBB2_16-.Ltmp15, $3  }
0x8e: {  	_ =	sdelay $0x1  }
0x8f: {  	[tilespmem:v3+s12+$0x0] =	vst.idx.add.f32.msk vm0, v5  }
0x90: {  	[tilespmem:v2+s12+$0x0] =	vst.idx.add.f32.msk vm1, v4  }
.LBB2_19:
0x91: {  	_ =	sfence.sel $0x180000  }
0x92: {  	[bflag:$0x0] =	sbarrier.arrive $0xFFFF  }
0x93: {  	p0 =	sne.s32 s1, $0x0;
	_ =	strace $0x90000047  }
0x94: {  	s0 =	sadd.s32 @!p0 $0x100000, s0;
	[bflag:$0x2] =	sbarrier.arrive $0xFFFF  }
0x95: {  	[sflag:s0] =	ssyncadd.tile.s32 @!p0 $0x1;
	_ =	shalt  }
.Lfunc_end2:
_tile_overlayer_lowered:
.L_overlay_start_2:
0x96: {  	(tag) =	ssettag $0x2  }
0x97: {  	s0 =	rddreg [dreg:$0x0];
	s2 =	stileid.u32  }
0x98: {  	s1 =	rddreg [dreg:$0x1];
	p0 =	sne.s32 s2, $0x0  }
0x99: {  	s3 =	rddreg [dreg:$0x2];
	[bflag:$0x3] =	sbarrier.arrive $0xFFFF;
	s2 =	simm.s32 @!p0 $0x1C03  }
0x9a: {  	[timem:s3], [sflag:s2] =	dma.local @!p0 [hbm:s0], s1  }
0x9b: {  	s0 =	simm.s32 @!p0 $0x3  }
0x9c: {  	_ =	swait.ge @!p0 [sflag:s0], s1  }
0x9d: {  	s1 =	ssub.s32 @!p0 $0x0, s1;
	[sflag:s0] =	ssyncset.done @!p0 $0x0  }
0x9e: {  	[sflag:s0] =	ssyncadd.s32 @!p0 s1  }
0x9f: {  	[bflag:$0x3] =	sbarrier.arrive $0xFFFF  }
0xa0: {  	_ =	shalt  }

</sc_bundles>
